<compile_context>
chip_gen: v7x
topology: tpu7x:2x2x1
jax: 0.10.2.dev20260603
libtpu: 0.0.44.dev20260713+nightly
codegen_flags: <defaults>
</compile_context>

<pallas_src>
import functools

import jax
import jax.numpy as jnp
from jax import lax
from jax.experimental import pallas as pl
from jax.experimental.pallas import tpu as pltpu
from jax.experimental.pallas import tpu_sc as plsc

B = 8
H = 32
W = 32
H_MASK = 63
W_MASK = 63
HALF = 31
NCH = H_MASK * W_MASK
NWORKER = 32
WHALF = 16
NTASK = B * H * 2
TASKS_PER = NTASK // NWORKER

_mesh = plsc.VectorSubcoreMesh(core_axis_name="c", subcore_axis_name="s")


@functools.partial(
    pl.kernel,
    out_type=jax.ShapeDtypeStruct((B, H, W, H * W), jnp.float32),
    mesh=_mesh,
    compiler_params=pltpu.CompilerParams(needs_layout_passes=False),
    scratch_types=[
        pltpu.VMEM((WHALF, NCH), jnp.float32),
        pltpu.VMEM((WHALF, H * W), jnp.float32),
        pltpu.SemaphoreType.DMA,
    ],
)
def _psamask_sc(x_hbm, out_hbm, buf, obuf, sem):
    cid = lax.axis_index("c")
    sid = lax.axis_index("s")
    wid = sid * 2 + cid

    def task_body(t, carry):
        task = wid * TASKS_PER + t
        n = task // (H * 2)
        rem = task % (H * 2)
        h = rem // 2
        wh = rem % 2
        pltpu.sync_copy(x_hbm.at[n, h, pl.ds(wh * WHALF, WHALF)], buf)
        sbase = (HALF * W_MASK + HALF) - W_MASK * h - wh * WHALF

        lane = lax.broadcasted_iota(jnp.int32, (16,), 0)

        def w_body(wl, cw):
            s = sbase - wl
            wl_vec = lane * 0 + wl

            def i_body(i, ci):
                for wc in range(2):
                    src = W_MASK * i + wc * 16 + s
                    val = plsc.load_gather(buf, [wl_vec, src + lane])
                    obuf[wl, pl.ds(W * i + wc * 16, 16)] = val
                return ci

            lax.fori_loop(0, H, i_body, 0)
            return cw

        lax.fori_loop(0, WHALF, w_body, 0)
        pltpu.sync_copy(obuf, out_hbm.at[n, h, pl.ds(wh * WHALF, WHALF)])
        return carry

    lax.fori_loop(0, TASKS_PER, task_body, 0)


def kernel(input):
    x_t = jnp.transpose(input, (0, 2, 3, 1))
    out_t = _psamask_sc(x_t)
    return jnp.transpose(out_t, (0, 3, 1, 2))

# --- scband reference (transcript-rebuilt; emitter-appended) ---
"""Pipeline reference for scband-psamask-30554397344333 (READ-ONLY COPY).

The authoritative reference and input builder live on the scoring server;
editing this copy changes nothing except your own understanding.
"""

import jax, jax.numpy as jnp
import numpy as np

B = 8
H = 32
W = 32
H_MASK = 63
W_MASK = 63
HALF_H = (H_MASK - 1) // 2
HALF_W = (W_MASK - 1) // 2


def setup_inputs(seed: int = 0) -> dict:
    key = jax.random.key(seed)
    x = jax.random.normal(key, (B, H_MASK * W_MASK, H, W), dtype=jnp.float32)
    return {"input": x}


def _psamask_collect(x):
    # PSAMask 'collect' (psa_type=0):
    # output[n, i*W + j, h, w] = input[n, (i - h + HALF_H) * W_MASK + (j - w + HALF_W), h, w]
    # when the mask index is in range, else 0.
    i = jnp.arange(H).reshape(H, 1, 1, 1)
    j = jnp.arange(W).reshape(1, W, 1, 1)
    h = jnp.arange(H).reshape(1, 1, H, 1)
    w = jnp.arange(W).reshape(1, 1, 1, W)
    hidx = i - h + HALF_H
    widx = j - w + HALF_W
    valid = (hidx >= 0) & (hidx < H_MASK) & (widx >= 0) & (widx < W_MASK)
    chan = jnp.clip(hidx, 0, H_MASK - 1) * W_MASK + jnp.clip(widx, 0, W_MASK - 1)
    chan = jnp.broadcast_to(chan, (H, W, H, W)).reshape(H * W, H, W)
    valid = jnp.broadcast_to(valid, (H, W, H, W)).reshape(H * W, H, W)
    hh = jnp.broadcast_to(jnp.arange(H).reshape(1, H, 1), (H * W, H, W))
    ww = jnp.broadcast_to(jnp.arange(W).reshape(1, 1, W), (H * W, H, W))
    gathered = x[:, chan, hh, ww]  # [B, H*W, H, W]
    out = jnp.where(valid[None, :, :, :], gathered, jnp.zeros((), dtype=x.dtype))
    return out


def reference(input) -> jnp.ndarray:
    return _psamask_collect(input)

if __name__ == "__main__":
    import jax
    _d = setup_inputs()
    print(jax.jit(kernel)(*tuple(_d.values())))

</pallas_src>

<mosaic_0001>
#map = affine_map<(d0, d1) -> (0, 0, 0, 0)>
module attributes {stable_mosaic.version = 14 : i64} {
  func.func @_psamask_sc(%arg0: i32, %arg1: i32, %arg2: memref<8x32x32x3969xf32, #tpu.memory_space<hbm>>, %arg3: memref<8x32x32x1024xf32, #tpu.memory_space<hbm>>, %arg4: memref<16x3969xf32, #tpu.memory_space<vmem>>, %arg5: memref<16x1024xf32, #tpu.memory_space<vmem>>, %arg6: memref<!tpu.dma_semaphore, #tpu.memory_space<semaphore_mem>>) attributes {dimension_semantics = [#tpu.dimension_semantics<core_parallel>, #tpu.dimension_semantics<subcore_parallel>], iteration_bounds = array<i64: 2, 16>, scalar_prefetch = 0 : i64, scratch_operands = 3 : i64, tpu.core_type = #tpu.core_type<sc_vector_subcore>, window_params = [{transform_indices = #map}, {transform_indices = #map}]} {
    %mul3A = arith.constant 2 : i32
    %mul3A_0 = arith.muli %arg1, %mul3A : i32
    %add3A = arith.addi %mul3A_0, %arg0 : i32
    %scan3A = arith.constant 0 : i32
    %scan3A_1 = arith.constant 0 : i32
    %scan3A_2 = arith.constant 16 : i32
    %scan3A_3 = arith.addi %scan3A_1, %scan3A_2 : i32
    %scan3A_4 = arith.constant 1 : i32
    scf.for %scan3A_6 = %scan3A_1 to %scan3A_3 step %scan3A_4  : i32 {
      %mul3A_7 = arith.constant 16 : i32
      %mul3A_8 = arith.muli %add3A, %mul3A_7 : i32
      %add3A_9 = arith.addi %mul3A_8, %scan3A_6 : i32
      %jit3A = arith.constant 64 : i32
      %div3A = arith.divsi %add3A_9, %jit3A : i32
      %sign3A = arith.constant 0 : i32
      %sign3A_10 = arith.cmpi sgt, %add3A_9, %sign3A : i32
      %sign3A_11 = arith.extui %sign3A_10 : i1 to i32
      %sign3A_12 = arith.constant 0 : i32
      %sign3A_13 = arith.cmpi slt, %add3A_9, %sign3A_12 : i32
      %sign3A_14 = arith.extui %sign3A_13 : i1 to i32
      %sign3A_15 = arith.subi %sign3A_11, %sign3A_14 : i32
      %sign3A_16 = arith.constant 0 : i32
      %sign3A_17 = arith.cmpi sgt, %jit3A, %sign3A_16 : i32
      %sign3A_18 = arith.extui %sign3A_17 : i1 to i32
      %sign3A_19 = arith.constant 0 : i32
      %sign3A_20 = arith.cmpi slt, %jit3A, %sign3A_19 : i32
      %sign3A_21 = arith.extui %sign3A_20 : i1 to i32
      %sign3A_22 = arith.subi %sign3A_18, %sign3A_21 : i32
      %ne3A = arith.cmpi ne, %sign3A_15, %sign3A_22 : i32
      %rem3A = arith.remsi %add3A_9, %jit3A : i32
      %ne3A_23 = arith.constant 0 : i32
      %ne3A_24 = arith.cmpi ne, %rem3A, %ne3A_23 : i32
      %and3A = arith.andi %ne3A, %ne3A_24 : i1
      %sub3A = arith.constant 1 : i32
      %sub3A_25 = arith.subi %div3A, %sub3A : i32
      %select_n3A = arith.select %and3A, %sub3A_25, %div3A : i32
      %jit3A_26 = arith.constant 64 : i32
      %eq3A = arith.constant 0 : i32
      %eq3A_27 = arith.cmpi eq, %jit3A_26, %eq3A : i32
      %jit3A_28 = arith.constant 1 : i32
      %select_n3A_29 = arith.select %eq3A_27, %jit3A_28, %jit3A_26 : i32
      %rem3A_30 = arith.remsi %add3A_9, %select_n3A_29 : i32
      %ne3A_31 = arith.constant 0 : i32
      %ne3A_32 = arith.cmpi ne, %rem3A_30, %ne3A_31 : i32
      %lt3A = arith.constant 0 : i32
      %lt3A_33 = arith.cmpi slt, %rem3A_30, %lt3A : i32
      %lt3A_34 = arith.constant 0 : i32
      %lt3A_35 = arith.cmpi slt, %select_n3A_29, %lt3A_34 : i32
      %ne3A_36 = arith.xori %lt3A_33, %lt3A_35 : i1
      %and3A_37 = arith.andi %ne3A_36, %ne3A_32 : i1
      %add3A_38 = arith.addi %rem3A_30, %select_n3A_29 : i32
      %select_n3A_39 = arith.select %and3A_37, %add3A_38, %rem3A_30 : i32
      %jit3A_40 = arith.constant 2 : i32
      %div3A_41 = arith.divsi %select_n3A_39, %jit3A_40 : i32
      %sign3A_42 = arith.constant 0 : i32
      %sign3A_43 = arith.cmpi sgt, %select_n3A_39, %sign3A_42 : i32
      %sign3A_44 = arith.extui %sign3A_43 : i1 to i32
      %sign3A_45 = arith.constant 0 : i32
      %sign3A_46 = arith.cmpi slt, %select_n3A_39, %sign3A_45 : i32
      %sign3A_47 = arith.extui %sign3A_46 : i1 to i32
      %sign3A_48 = arith.subi %sign3A_44, %sign3A_47 : i32
      %sign3A_49 = arith.constant 0 : i32
      %sign3A_50 = arith.cmpi sgt, %jit3A_40, %sign3A_49 : i32
      %sign3A_51 = arith.extui %sign3A_50 : i1 to i32
      %sign3A_52 = arith.constant 0 : i32
      %sign3A_53 = arith.cmpi slt, %jit3A_40, %sign3A_52 : i32
      %sign3A_54 = arith.extui %sign3A_53 : i1 to i32
      %sign3A_55 = arith.subi %sign3A_51, %sign3A_54 : i32
      %ne3A_56 = arith.cmpi ne, %sign3A_48, %sign3A_55 : i32
      %rem3A_57 = arith.remsi %select_n3A_39, %jit3A_40 : i32
      %ne3A_58 = arith.constant 0 : i32
      %ne3A_59 = arith.cmpi ne, %rem3A_57, %ne3A_58 : i32
      %and3A_60 = arith.andi %ne3A_56, %ne3A_59 : i1
      %sub3A_61 = arith.constant 1 : i32
      %sub3A_62 = arith.subi %div3A_41, %sub3A_61 : i32
      %select_n3A_63 = arith.select %and3A_60, %sub3A_62, %div3A_41 : i32
      %jit3A_64 = arith.constant 2 : i32
      %eq3A_65 = arith.constant 0 : i32
      %eq3A_66 = arith.cmpi eq, %jit3A_64, %eq3A_65 : i32
      %jit3A_67 = arith.constant 1 : i32
      %select_n3A_68 = arith.select %eq3A_66, %jit3A_67, %jit3A_64 : i32
      %rem3A_69 = arith.remsi %select_n3A_39, %select_n3A_68 : i32
      %ne3A_70 = arith.constant 0 : i32
      %ne3A_71 = arith.cmpi ne, %rem3A_69, %ne3A_70 : i32
      %lt3A_72 = arith.constant 0 : i32
      %lt3A_73 = arith.cmpi slt, %rem3A_69, %lt3A_72 : i32
      %lt3A_74 = arith.constant 0 : i32
      %lt3A_75 = arith.cmpi slt, %select_n3A_68, %lt3A_74 : i32
      %ne3A_76 = arith.xori %lt3A_73, %lt3A_75 : i1
      %and3A_77 = arith.andi %ne3A_76, %ne3A_71 : i1
      %add3A_78 = arith.addi %rem3A_69, %select_n3A_68 : i32
      %select_n3A_79 = arith.select %and3A_77, %add3A_78, %rem3A_69 : i32
      %mul3A_80 = arith.constant 16 : i32
      %mul3A_81 = arith.muli %select_n3A_79, %mul3A_80 : i32
      "tpu.region"() ({
        %run_scoped3A = tpu.sem_alloc : memref<!tpu.dma_semaphore, #tpu.memory_space<semaphore_mem>>
        %dma_start3A = arith.constant 0 : i32
        %dma_start3A_97 = tpu.memref_slice %arg2[%select_n3A, %select_n3A_63, %mul3A_81, %dma_start3A] : memref<8x32x32x3969xf32, #tpu.memory_space<hbm>> -> memref<1x1x16x3969xf32, #tpu.memory_space<hbm>>
        %dma_start3A_98 = tpu.memref_squeeze %dma_start3A_97 : memref<1x1x16x3969xf32, #tpu.memory_space<hbm>> -> memref<16x3969xf32, #tpu.memory_space<hbm>>
        %dma_start3A_99 = arith.constant 0 : i32
        %dma_start3A_100 = tpu.memref_slice %arg2[%select_n3A, %select_n3A_63, %mul3A_81, %dma_start3A_99] : memref<8x32x32x3969xf32, #tpu.memory_space<hbm>> -> memref<1x1x16x3969xf32, #tpu.memory_space<hbm>>
        %dma_start3A_101 = tpu.memref_squeeze %dma_start3A_100 : memref<1x1x16x3969xf32, #tpu.memory_space<hbm>> -> memref<16x3969xf32, #tpu.memory_space<hbm>>
        tpu.enqueue_dma source(%dma_start3A_101 : memref<16x3969xf32, #tpu.memory_space<hbm>>) target(%arg4 : memref<16x3969xf32, #tpu.memory_space<vmem>>) target_semaphore(%run_scoped3A : memref<!tpu.dma_semaphore, #tpu.memory_space<semaphore_mem>>)
        %dma_wait3A = arith.constant 0 : i32
        %dma_wait3A_102 = tpu.memref_slice %arg2[%select_n3A, %select_n3A_63, %mul3A_81, %dma_wait3A] : memref<8x32x32x3969xf32, #tpu.memory_space<hbm>> -> memref<1x1x16x3969xf32, #tpu.memory_space<hbm>>
        %dma_wait3A_103 = tpu.memref_squeeze %dma_wait3A_102 : memref<1x1x16x3969xf32, #tpu.memory_space<hbm>> -> memref<16x3969xf32, #tpu.memory_space<hbm>>
        %dma_wait3A_104 = arith.constant 0 : i32
        %dma_wait3A_105 = tpu.memref_slice %arg2[%select_n3A, %select_n3A_63, %mul3A_81, %dma_wait3A_104] : memref<8x32x32x3969xf32, #tpu.memory_space<hbm>> -> memref<1x1x16x3969xf32, #tpu.memory_space<hbm>>
        %dma_wait3A_106 = tpu.memref_squeeze %dma_wait3A_105 : memref<1x1x16x3969xf32, #tpu.memory_space<hbm>> -> memref<16x3969xf32, #tpu.memory_space<hbm>>
        tpu.wait_dma2 semaphore(%run_scoped3A : memref<!tpu.dma_semaphore, #tpu.memory_space<semaphore_mem>>) src(%dma_wait3A_106 : memref<16x3969xf32, #tpu.memory_space<hbm>>) dst(%arg4 : memref<16x3969xf32, #tpu.memory_space<vmem>>)
        tpu.yield
      }) : () -> ()
      %mul3A_82 = arith.constant 63 : i32
      %mul3A_83 = arith.muli %mul3A_82, %select_n3A_63 : i32
      %sub3A_84 = arith.constant 1984 : i32
      %sub3A_85 = arith.subi %sub3A_84, %mul3A_83 : i32
      %mul3A_86 = arith.constant 16 : i32
      %mul3A_87 = arith.muli %select_n3A_79, %mul3A_86 : i32
      %sub3A_88 = arith.subi %sub3A_85, %mul3A_87 : i32
      %iota3A = tpu.iota {dimensions = array<i32: 0>} : vector<16xi32>
      %scan3A_89 = arith.constant 0 : i32
      %scan3A_90 = arith.constant 0 : i32
      %scan3A_91 = arith.constant 16 : i32
      %scan3A_92 = arith.addi %scan3A_90, %scan3A_91 : i32
      %scan3A_93 = arith.constant 1 : i32
      scf.for %scan3A_97 = %scan3A_90 to %scan3A_92 step %scan3A_93  : i32 {
        %sub3A_98 = arith.subi %sub3A_88, %scan3A_97 : i32
        %mul3A_99 = arith.constant 0 : i32
        %mul3A_100 = vector.broadcast %mul3A_99 : i32 to vector<16xi32>
        %mul3A_101 = arith.muli %iota3A, %mul3A_100 : vector<16xi32>
        %add3A_102 = vector.broadcast %scan3A_97 : i32 to vector<16xi32>
        %add3A_103 = arith.addi %mul3A_101, %add3A_102 : vector<16xi32>
        %scan3A_104 = arith.constant 0 : i32
        %scan3A_105 = arith.constant 0 : i32
        %scan3A_106 = arith.constant 32 : i32
        %scan3A_107 = arith.addi %scan3A_105, %scan3A_106 : i32
        %scan3A_108 = arith.constant 1 : i32
        scf.for %scan3A_110 = %scan3A_105 to %scan3A_107 step %scan3A_108  : i32 {
          %mul3A_111 = arith.constant 63 : i32
          %mul3A_112 = arith.muli %mul3A_111, %scan3A_110 : i32
          %add3A_113 = arith.constant 0 : i32
          %add3A_114 = arith.addi %mul3A_112, %add3A_113 : i32
          %add3A_115 = arith.addi %add3A_114, %sub3A_98 : i32
          %add3A_116 = vector.broadcast %add3A_115 : i32 to vector<16xi32>
          %add3A_117 = arith.addi %add3A_116, %iota3A : vector<16xi32>
          %gather3A = tpu.vector_load_idx %arg4[%add3A_103, %add3A_117] : memref<16x3969xf32, #tpu.memory_space<vmem>>[vector<16xi32>, vector<16xi32>], vector<16xf32>,
          %mul3A_118 = arith.constant 32 : i32
          %mul3A_119 = arith.muli %mul3A_118, %scan3A_110 : i32
          %add3A_120 = arith.constant 0 : i32
          %add3A_121 = arith.addi %mul3A_119, %add3A_120 : i32
          %swap3A = arith.index_cast %scan3A_97 : i32 to index
          %swap3A_122 = arith.index_cast %add3A_121 : i32 to index
          %swap3A_123 = tpu.vector_load %arg5[%swap3A, %swap3A_122] {strides = array<i32>} : memref<16x1024xf32, #tpu.memory_space<vmem>>, vector<16xf32>,
          tpu.vector_store %arg5[%swap3A, %swap3A_122], %gather3A {strides = array<i32>} : memref<16x1024xf32, #tpu.memory_space<vmem>>, vector<16xf32>,
          %mul3A_124 = arith.constant 63 : i32
          %mul3A_125 = arith.muli %mul3A_124, %scan3A_110 : i32
          %add3A_126 = arith.constant 16 : i32
          %add3A_127 = arith.addi %mul3A_125, %add3A_126 : i32
          %add3A_128 = arith.addi %add3A_127, %sub3A_98 : i32
          %add3A_129 = vector.broadcast %add3A_128 : i32 to vector<16xi32>
          %add3A_130 = arith.addi %add3A_129, %iota3A : vector<16xi32>
          %gather3A_131 = tpu.vector_load_idx %arg4[%add3A_103, %add3A_130] : memref<16x3969xf32, #tpu.memory_space<vmem>>[vector<16xi32>, vector<16xi32>], vector<16xf32>,
          %mul3A_132 = arith.constant 32 : i32
          %mul3A_133 = arith.muli %mul3A_132, %scan3A_110 : i32
          %add3A_134 = arith.constant 16 : i32
          %add3A_135 = arith.addi %mul3A_133, %add3A_134 : i32
          %swap3A_136 = arith.index_cast %scan3A_97 : i32 to index
          %swap3A_137 = arith.index_cast %add3A_135 : i32 to index
          %swap3A_138 = tpu.vector_load %arg5[%swap3A_136, %swap3A_137] {strides = array<i32>} : memref<16x1024xf32, #tpu.memory_space<vmem>>, vector<16xf32>,
          tpu.vector_store %arg5[%swap3A_136, %swap3A_137], %gather3A_131 {strides = array<i32>} : memref<16x1024xf32, #tpu.memory_space<vmem>>, vector<16xf32>,
        }
        %scan3A_109 = arith.constant 32 : i32
      }
      %scan3A_94 = arith.constant 16 : i32
      %mul3A_95 = arith.constant 16 : i32
      %mul3A_96 = arith.muli %select_n3A_79, %mul3A_95 : i32
      "tpu.region"() ({
        %run_scoped3A = tpu.sem_alloc : memref<!tpu.dma_semaphore, #tpu.memory_space<semaphore_mem>>
        %dma_start3A = arith.constant 0 : i32
        %dma_start3A_97 = tpu.memref_slice %arg3[%select_n3A, %select_n3A_63, %mul3A_96, %dma_start3A] : memref<8x32x32x1024xf32, #tpu.memory_space<hbm>> -> memref<1x1x16x1024xf32, #tpu.memory_space<hbm>>
        %dma_start3A_98 = tpu.memref_squeeze %dma_start3A_97 : memref<1x1x16x1024xf32, #tpu.memory_space<hbm>> -> memref<16x1024xf32, #tpu.memory_space<hbm>>
        %dma_start3A_99 = arith.constant 0 : i32
        %dma_start3A_100 = tpu.memref_slice %arg3[%select_n3A, %select_n3A_63, %mul3A_96, %dma_start3A_99] : memref<8x32x32x1024xf32, #tpu.memory_space<hbm>> -> memref<1x1x16x1024xf32, #tpu.memory_space<hbm>>
        %dma_start3A_101 = tpu.memref_squeeze %dma_start3A_100 : memref<1x1x16x1024xf32, #tpu.memory_space<hbm>> -> memref<16x1024xf32, #tpu.memory_space<hbm>>
        tpu.enqueue_dma source(%arg5 : memref<16x1024xf32, #tpu.memory_space<vmem>>) target(%dma_start3A_101 : memref<16x1024xf32, #tpu.memory_space<hbm>>) target_semaphore(%run_scoped3A : memref<!tpu.dma_semaphore, #tpu.memory_space<semaphore_mem>>)
        %dma_wait3A = arith.constant 0 : i32
        %dma_wait3A_102 = tpu.memref_slice %arg3[%select_n3A, %select_n3A_63, %mul3A_96, %dma_wait3A] : memref<8x32x32x1024xf32, #tpu.memory_space<hbm>> -> memref<1x1x16x1024xf32, #tpu.memory_space<hbm>>
        %dma_wait3A_103 = tpu.memref_squeeze %dma_wait3A_102 : memref<1x1x16x1024xf32, #tpu.memory_space<hbm>> -> memref<16x1024xf32, #tpu.memory_space<hbm>>
        %dma_wait3A_104 = arith.constant 0 : i32
        %dma_wait3A_105 = tpu.memref_slice %arg3[%select_n3A, %select_n3A_63, %mul3A_96, %dma_wait3A_104] : memref<8x32x32x1024xf32, #tpu.memory_space<hbm>> -> memref<1x1x16x1024xf32, #tpu.memory_space<hbm>>
        %dma_wait3A_106 = tpu.memref_squeeze %dma_wait3A_105 : memref<1x1x16x1024xf32, #tpu.memory_space<hbm>> -> memref<16x1024xf32, #tpu.memory_space<hbm>>
        tpu.wait_dma2 semaphore(%run_scoped3A : memref<!tpu.dma_semaphore, #tpu.memory_space<semaphore_mem>>) src(%arg5 : memref<16x1024xf32, #tpu.memory_space<vmem>>) dst(%dma_wait3A_106 : memref<16x1024xf32, #tpu.memory_space<hbm>>)
        tpu.yield
      }) : () -> ()
    }
    %scan3A_5 = arith.constant 16 : i32
    return
  }
}

</mosaic_0001>

<sc_bundles>
// kernel: kernel.3.cloned.1.call-start
scs
__scs_entry_jumppad:
0x0: {  	(pc) =	sbr.rel $0x88, $3  }
0x1: {  	(tag) =	ssettag $0x0;
	lr =	simm.s32 $0x1  }
0x2: {  	[smem:$0x3FA0] =	sst lr;
	_ =	strace $0xD0000000  }
0x3: {  	_ = 	snop  }
0x4: {  	_ = 	snop  }
0x5: {  	_ = 	snop  }
0x6: {  	_ = 	snop  }
0x7: {  	_ = 	snop  }
__scs_overlays_trampoline_lowered:
0x8: {  	[smem:$0x3FAF] =	sst s0  }
0x9: {  	[smem:$0x3FB0] =	sst s1  }
0xa: {  	[smem:$0x3FB1] =	sst s2  }
0xb: {  	[smem:$0x3FB2] =	sst s3  }
0xc: {  	[smem:$0x3FB3] =	sst s4  }
0xd: {  	[smem:$0x3FB4] =	sst s5  }
0xe: {  	[smem:$0x3FB5] =	sst s6  }
0xf: {  	[smem:$0x3FB6] =	sst s7  }
0x10: {  	[smem:$0x3FB7] =	sst s8  }
0x11: {  	[smem:$0x3FB8] =	sst s9;
	s0 =	simm.s32 @!p0 $0x0  }
0x12: {  	s1 =	sld [smem:$0x3F9E];
	s0 =	simm.s32 @p0 $0x1  }
0x13: {  	[smem:$0x3FB9] =	sst s0;
	s0 =	simm.s32 @!p1 $0x0  }
0x14: {  	s2 =	sld [smem:$0x3F9D];
	s0 =	simm.s32 @p1 $0x1  }
0x15: {  	[smem:$0x3FBA] =	sst s0;
	s0 =	simm.s32 @!p2 $0x0  }
0x16: {  	s3 =	sld [smem:$0x3FDB];
	s0 =	simm.s32 @p2 $0x1  }
0x17: {  	s4 =	simm.s32 $0x1BF5;
	[smem:$0x3FBC] =	sst s0  }
0x18: {  	s0 =	sld [smem:$0x3F9F];
	_ =	swait.ge [sflag:s4], $0x0  }
0x19: {  	s7 =	sld [smem:$0x3FA0]  }
0x1a: {  	s8 =	sadd.s32 $0xFFFFE003, lr  }
0x1b: {  	s9 =	sadd.s32 $0xFFFFFEF7, lr;
	s5 =	simm.s32 $0xFFFFFFFF;
	p2 =	slt.u32 s8, $0xFFFFF086  }
0x1c: {  	p1 =	slt.u32 s9, $0xF7A;
	s5 =	simm.s32 @!p2 $0x0  }
0x1d: {  	s5 =	simm.s32 @p1 $0x1;
	p0 =	seq.s32 s7, s2  }
0x1e: {  	s7 =	smul.u32 @!p0 $0xF7A, s2;
	p2 =	seq.s32 @!p0 s5, $0x0  }
0x1f: {  	s9 =	smul.u32 $0xF7A, s1;
	s8 =	simm.s32 @!p0 $0x1BF5;
	p2 =	por !p2, p0  }
0x20: {  	[sflag:s8] =	ssyncset.s32 @!p0 $0xFFFFF086;
	s6 =	sadd.s32 @!p0 s3, s7;
	s7 =	simm.s32 @!p0 $0x108  }
0x21: {  	s3 =	sadd.s32 s3, s9;
	s6 =	sadd.s32 @!p0 $0x88, s6;
	s7 =	simm.s32 @p2 $0x1082  }
0x22: {  	[simem:s7], [sflag:s8] =	dma.local @!p0 [hbm:s6], $0xF7A  }
0x23: {  	s9 =	sor.u32 $0xD0000000, s2;
	s6 =	simm.s32 $0x108;
	_ =	swait.ge @!p0 [sflag:s8], $0x0  }
0x24: {  	s3 =	sadd.s32 $0x88, s3;
	s6 =	simm.s32 @!p1 $0x1082;
	[sflag:s4] =	ssyncset.s32 $0xFFFFF086  }
0x25: {  	[simem:s6], [sflag:s4] =	dma.local [hbm:s3], $0xF7A  }
0x26: {  	[smem:$0x3FA0] =	sst s1;
	(tag) =	ssettag s2;
	_ =	strace s9  }
0x27: {  	s1 =	sld [smem:$0x3FB0]  }
0x28: {  	s2 =	sld [smem:$0x3FB1]  }
0x29: {  	s4 =	sld [smem:$0x3FB3]  }
0x2a: {  	p0 =	seq.s32 s5, $0x0;
	s5 =	sld [smem:$0x3FB4]  }
0x2b: {  	s6 =	sld [smem:$0x3FB5]  }
0x2c: {  	s7 =	sld [smem:$0x3FB6]  }
0x2d: {  	s3 =	simm.s32 $0x108;
	s8 =	sld [smem:$0x3FB7]  }
0x2e: {  	s3 =	simm.s32 @!p0 $0x1082;
	s9 =	sld [smem:$0x3FB8]  }
0x2f: {  	lr =	sadd.s32 s0, s3;
	s0 =	sld [smem:$0x3FAF]  }
0x30: {  	s3 =	sld [smem:$0x3FB2]  }
0x31: {  	[smem:$0x3FBB] =	sst s10  }
0x32: {  	s10 =	sld [smem:$0x3FB9];
	_ =	sdelay $0x3  }
0x33: {  	p0 =	seq.s32 s10, $0x1;
	s10 =	sld [smem:$0x3FBB];
	_ =	sdelay $0x3  }
0x34: {  	[smem:$0x3FBB] =	sst s10  }
0x35: {  	s10 =	sld [smem:$0x3FBA];
	_ =	sdelay $0x3  }
0x36: {  	p1 =	seq.s32 s10, $0x1;
	s10 =	sld [smem:$0x3FBB];
	_ =	sdelay $0x3  }
0x37: {  	[smem:$0x3FBB] =	sst s10  }
0x38: {  	s10 =	sld [smem:$0x3FBC]  }
0x39: {  	_ = 	snop;
	(pc) =	sbr.ind lr, $3  }
0x3a: {  	_ = 	snop  }
0x3b: {  	_ = 	snop  }
0x3c: {  	p2 =	seq.s32 s10, $0x1;
	s10 =	sld [smem:$0x3FBB]  }
0x3d: {  	_ =	shalt  }
0x3e: {  	_ =	shalt  }
0x3f: {  	_ =	shalt  }
0x40: {  	_ =	shalt  }
0x41: {  	_ =	shalt  }
0x42: {  	_ =	shalt  }
0x43: {  	_ =	shalt  }
0x44: {  	_ =	shalt  }
0x45: {  	_ =	shalt  }
0x46: {  	_ =	shalt  }
0x47: {  	_ =	shalt  }
0x48: {  	_ =	shalt  }
0x49: {  	_ =	shalt  }
0x4a: {  	_ =	shalt  }
0x4b: {  	_ =	shalt  }
0x4c: {  	_ =	shalt  }
0x4d: {  	_ =	shalt  }
0x4e: {  	_ =	shalt  }
0x4f: {  	_ =	shalt  }
0x50: {  	_ =	shalt  }
0x51: {  	_ =	shalt  }
0x52: {  	_ =	shalt  }
0x53: {  	_ =	shalt  }
0x54: {  	_ =	shalt  }
0x55: {  	_ =	shalt  }
0x56: {  	_ =	shalt  }
0x57: {  	_ =	shalt  }
0x58: {  	_ =	shalt  }
0x59: {  	_ =	shalt  }
0x5a: {  	_ =	shalt  }
0x5b: {  	_ =	shalt  }
0x5c: {  	_ =	shalt  }
0x5d: {  	_ =	shalt  }
0x5e: {  	_ =	shalt  }
0x5f: {  	_ =	shalt  }
0x60: {  	_ =	shalt  }
0x61: {  	_ =	shalt  }
0x62: {  	_ =	shalt  }
0x63: {  	_ =	shalt  }
0x64: {  	_ =	shalt  }
0x65: {  	_ =	shalt  }
0x66: {  	_ =	shalt  }
0x67: {  	_ =	shalt  }
0x68: {  	_ =	shalt  }
0x69: {  	_ =	shalt  }
0x6a: {  	_ =	shalt  }
0x6b: {  	_ =	shalt  }
0x6c: {  	_ =	shalt  }
0x6d: {  	_ =	shalt  }
0x6e: {  	_ =	shalt  }
0x6f: {  	_ =	shalt  }
0x70: {  	_ =	shalt  }
0x71: {  	_ =	shalt  }
0x72: {  	_ =	shalt  }
0x73: {  	_ =	shalt  }
0x74: {  	_ =	shalt  }
0x75: {  	_ =	shalt  }
0x76: {  	_ =	shalt  }
0x77: {  	_ =	shalt  }
0x78: {  	_ =	shalt  }
0x79: {  	_ =	shalt  }
0x7a: {  	_ =	shalt  }
0x7b: {  	_ =	shalt  }
0x7c: {  	_ =	shalt  }
0x7d: {  	_ =	shalt  }
0x7e: {  	_ =	shalt  }
0x7f: {  	_ =	shalt  }
0x80: {  	_ =	shalt  }
0x81: {  	_ =	shalt  }
0x82: {  	_ =	shalt  }
0x83: {  	_ =	shalt  }
0x84: {  	_ =	shalt  }
0x85: {  	_ =	shalt  }
0x86: {  	_ =	shalt  }
0x87: {  	_ =	shalt  }
.Lfunc_end0:
.L_simem_size_0:
called_computation_lowered:
.L_overlay_start_0:
0x88: {  	s2 =	sld [smem:$0x3FD9]  }
0x89: {  	s3 =	sld [smem:$0x3FFE];
	_ =	sdelay $0x1  }
0x8a: {  	s1 =	srdreg.scid  }
0x8b: {  	s0 =	sand.u32 $0x1, s1  }
0x8c: {  	s18 =	sshll.u32 s0, $0xA;
	s2 =	sadd.s32 s3, s2  }
0x8d: {  	s2 =	sadd.s32 s2, s18  }
0x8e: {  	[smem:$0x3FC7] =	sst s2  }
0x8f: {  	_ = 	snop  }
0x90: {  	s2 =	sld [smem:$0x3FC9]  }
0x91: {  	s19 =	sld [smem:$0x3FD0];
	(tm) =	ssettm $0x1  }
0x92: {  	s4 =	sld [smem:$0x3FFB];
	_ =	sdelay $0x3  }
0x93: {  	_ =	strace s4  }
0x94: {  	s4 =	sld [smem:$0x3FFC];
	_ =	sdelay $0x3  }
0x95: {  	_ =	strace s4  }
0x96: {  	s4 =	sld [smem:$0x3FFD];
	_ =	sdelay $0x3  }
0x97: {  	_ =	strace s4  }
0x98: {  	_ =	strace $0x8FFFFFFF  }
0x99: {  	s20 =	sld [smem:$0x3FDB];
	_ =	sdelay $0x1  }
0x9a: {  	s5 =	simm.s32 $_scs_section_size  }
0x9b: {  	s6 =	simm.s32 $_size__tile_overlayer_lowered;
	s7 =	simm.s32 $_tile_overlayer_lowered  }
0x9c: {  	s23 =	simm.s32 $0x1BFF;
	s22 =	sshll.u32 s7, $0x1;
	s4 =	sadd.s32 s5, s20  }
0x9d: {  	s8 =	simm.s32 $0x0;
	s21 =	sshll.u32 s6, $0x1;
	s6 =	sadd.s32 s22, s4  }
0x9e: {  	[timem:s8], [sflag:s23] =	dma.local [hbm:s6], s21  }
0x9f: {  	_ =	swait.ge [sflag:s23], s21  }
0xa0: {  	s5 =	ssub.s32 $0x0, s21;
	[sflag:s23] =	ssyncset.done $0x0  }
0xa1: {  	[sflag:s23] =	ssyncadd.s32 s5;
	_ =	sdelay $0x1  }
0xa2: {  	s24 =	simm.s32 $0x1B8B  }
0xa3: {  	_ =	swait.ge [sflag:s24], $0x1  }
0xa4: {  	[sflag:s24] =	ssyncset.done $0x0  }
0xa5: {  	s25 =	simm.s32 $0x1B8E;
	[sflag:s24] =	ssyncadd.s32 $0xFFFFFFFF  }
0xa6: {  	s26 =	simm.s32 $execute0_lowered;
	[smem:$0x3FD2] =	sst s25  }
0xa7: {  	s5 =	sshll.u32 s26, $0x1;
	_ =	strace $0x80000046;
	[dreg:$0x1] =	wrdreg $0xFFFFFFFF  }
0xa8: {  	s28 =	simm.s32 $_size_execute0_lowered;
	s4 =	sadd.s32 s4, s5;
	[dreg:$0x0] =	wrdreg $0x0  }
0xa9: {  	s5 =	sshll.u32 s28, $0x1;
	[dreg:$0x2] =	wrdreg s4  }
0xaa: {  	[dreg:$0x3] =	wrdreg s5  }
0xab: {  	[dreg:$0x4] =	wrdreg $0xC0  }
0xac: {  	_ =	task [dreg:s8], $0x5FFFF  }
0xad: {  	[dreg:$0x1] =	wrdreg $0xFFFFFFFF  }
0xae: {  	[dreg:$0x0] =	wrdreg $0x60  }
0xaf: {  	[dreg:$0x2] =	wrdreg s2  }
0xb0: {  	[dreg:$0x3] =	wrdreg s19  }
0xb1: {  	[dreg:$0x4] =	wrdreg $0x9  }
0xb2: {  	_ =	task.clear_ibuf [dreg:s8], $0x5FFFF;
	_ =	strace $0x90000046  }
0xb3: {  	s29 =	simm.s32 $0x9;
	_ =	strace $0x80000048  }
0xb4: {  	_ =	swait.ge [sflag:s29], $0x1  }
0xb5: {  	[sflag:s29] =	ssyncadd.s32 $0xFFFFFFFF  }
0xb6: {  	_ =	strace $0x90000048  }
0xb7: {  	_ =	sfence  }
0xb8: {  	s30 =	sld [smem:$0x0];
	_ =	sdelay $0x2  }
0xb9: {  	s31 =	sshll.u32 s1, $0xD;
	s1 =	sshrl.u32 s1, $0x2  }
0xba: {  	s3 =	sand.u32 $0x4000, s31;
	s1 =	sadd.s32 s1, s30  }
0xbb: {  	s0 =	sor.u32 s3, s0;
	s1 =	sshll.u32 s1, $0x11  }
0xbc: {  	s0 =	sor.u32 s1, s0  }
0xbd: {  	s0 =	sadd.s32 $0x8F2B, s0  }
0xbe: {  	[sflag:s0] =	ssyncadd.remote.s32 $0x1  }
0xbf: {  	_ =	sfence.sel $0xFFFF  }
0xc0: {  	[dreg:$0x0] =	wrdreg $0xFFFFFFFF;
	(pc) =	sbr.abs _section_cstart, $3  }
0xc1: {  	[dreg:$0x1] =	wrdreg $0xFFFFFFFF  }
0xc2: {  	_ =	task.clear_ibuf [dreg:s8], $0x2FFFF;
	_ =	strace $0x9FFFFFFF  }
0xc3: {  	(tm) =	ssettm $0x7FFFFFFF  }
tec
execute0_lowered:
.L_overlay_start_1:
0x0: {  	(tag) =	ssettag $0x1  }
0x1: {  	s4 =	rddreg [dreg:$0x0]  }
0x2: {  	s0 =	srdreg.scid;
	s5 =	rddreg [dreg:$0x1];
	s2 =	simm.s32 $0x0  }
0x3: {  	s1 =	stileid.u32;
	s3 =	sand.u32 $0x1, s0;
	s0 =	rddreg [dreg:$0x2]  }
0x4: {  	s9 =	simm.s32 $0x0;
	[smem:$0x7FF] =	sst s2;
	s30 =	sshll.u32 s1, $0x5  }
0x5: {  	s8 =	sshrl.u32 s1, $0x1;
	s6 =	ssub.s32 $0x2, s3;
	_ =	strace $0x80000047  }
0x6: {  	s3 =	sshll.u32 s3, $0x4;
	s31 =	sshll.u32 s8, $0x13;
	s8 =	sshll.u32 s8, $0x11  }
0x7: {  	s7 =	sshrl.u32 s6, $0x1;
	s4 =	sadd.s32 s4, s31;
	s5 =	sadd.s32 s5, s8  }
0x8: {  	s8 =	simm.s32 $0x10000;
	s6 =	ssub.s32 s6, s7;
	s7 =	sand.u32 $0x20, s30  }
0x9: {  	v0 =	vlaneseq.u32;
	s3 =	sor.u32 s3, s7;
	s6 =	smax.u32 s6, $0x1;
	s7 =	simm.s32 $0x1  }
.LBB2_1:
0xa: {  	p0 =	por $0x0, $0x0;
	s10 =	smov.u32 s3;
	s11 =	simm.s32 $0x0  }
.LBB2_2:
0xb: {  	s12 =	sadd.s32 s3, s11  }
0xc: {  	s13 =	sshll.u32 s11, $0x4;
	s12 =	sshrl.u32 s12, $0x1  }
0xd: {  	s13 =	sand.u32 $0x10, s13;
	s14 =	sshll.u32 s12, $0xE  }
0xe: {  	s15 =	sshll.u32 s13, $0x9;
	s14 =	sadd.s32 s14, s4  }
0xf: {  	s15 =	sadd.s32 s15, s14;
	s14 =	simm.s32 $0x0  }
0x10: {  	[tilespmem:s14], [sflag:$0x1] =	stream.linear.gather [hbm4b:s15+s14], $0x10000, $0x38;
	[tilespmem:$0x14000] =	vst v63  }
0x11: {  	s16 =	sshrl.u32 s10, $0x1;
	s15 =	simm.s32 $0x1  }
0x12: {  	s16 =	smul.u32 $0x3F, s16;
	s15 =	simm.s32 @!p0 $0x0  }
0x13: {  	_ =	swait.ge [sflag:s7], $0x10000;
	s15 =	sshll.u32 s15, $0x4  }
0x14: {  	[sflag:s7] =	ssyncset.done $0x0;
	s15 =	sadd.s32 s16, s15  }
0x15: {  	[sflag:s7] =	ssyncadd.s32 $0xFFFF0000;
	s16 =	simm.s32 $0x0;
	s15 =	ssub.s32 $0x7D0, s15  }
.LBB2_3:
0x16: {  	s17 =	sadd.s32 $0xFFFFFFF0, s15  }
0x17: {  	v2 =	vmov s16;
	v3 =	vadd.s32 s17, v0  }
0x18: {  	v1 =	vshll.u32 v2, $0xC;
	v4 =	vshll.u32 v3, $0x3  }
0x19: {  	v1 =	vand.u32 $0x8000, v1;
	v4 =	vand.u32 $0xFFFFFC00, v4  }
0x1a: {  	v2 =	vshll.u32 v2, $0x7;
	v3 =	vand.u32 $0x7F, v3;
	v4 =	vadd.s32 v1, v4  }
0x1b: {  	v2 =	vand.u32 $0x380, v2;
	v3 =	vor.u32 v3, v4  }
0x1c: {  	v4 =	vor.u32 v2, v3  }
0x1d: {  	v3 =	vadd.s32 s15, v0  }
0x1e: {  	v5 =	vshll.u32 v3, $0x3  }
0x1f: {  	s18 =	sshll.u32 s16, $0x7;
	v5 =	vand.u32 $0xFFFFFC00, v5  }
0x20: {  	s31 =	sshll.u32 s16, $0xA;
	s20 =	sand.u32 $0x380, s18;
	v3 =	vand.u32 $0x7F, v3;
	v5 =	vadd.s32 v1, v5  }
0x21: {  	s19 =	sadd.s32 $0x3F, s15;
	s21 =	simm.s32 $0x40;
	s24 =	sand.u32 $0x1C00, s14;
	v5 =	vor.u32 v3, v5;
	v3 =	vmov s20;
	v4 =	vld.idx.msk [tilespmem:v4+s2+$0x0], $0xffff  }
0x22: {  	s22 =	simm.s32 $0x0;
	s17 =	sand.u32 $0x2000, s31;
	s18 =	simm.s32 $0x20;
	v5 =	vor.u32 v2, v5  }
0x23: {  	s23 =	sadd.s32 $0xFFFFFFF0, s19;
	s17 =	sor.u32 $0x10000, s17;
	s20 =	simm.s32 $0x0  }
.LBB2_4:
0x24: {  	p1 =	sne.s32 s21, $0x3E0;
	v6 =	vadd.s32 s23, v0;
	s22 =	sand.u32 $0x60, s22;
	s23 =	sadd.s32 s24, s17  }
0x25: {  	v7 =	vshll.u32 v6, $0x3;
	s23 =	sadd.s32 s22, s23;
	s22 =	smov.u32 s18;
	s18 =	smov.u32 s21  }
0x26: {  	v7 =	vand.u32 $0xFFFFFC00, v7;
	[tilespmem:v3+s23+$0x0 ss:$0x1] =	vst.idx.msk $0xffff, v4  }
0x27: {  	v4 =	vand.u32 $0x7F, v6;
	v6 =	vadd.s32 v1, v7;
	v5 =	vld.idx.msk [tilespmem:v5+s2+$0x0], $0xffff  }
0x28: {  	v4 =	vor.u32 v4, v6  }
0x29: {  	v4 =	vor.u32 v2, v4;
	_ =	sdelay $0x1  }
0x2a: {  	v6 =	vadd.s32 s19, v0  }
0x2b: {  	v7 =	vshll.u32 v6, $0x3  }
.Ltmp0:
0x2c: {  	v7 =	vand.u32 $0xFFFFFC00, v7;
	[tilespmem:v3+s23+$0x10 ss:$0x1] =	vst.idx.msk $0xffff, v5;
	(pc) =	sbr.rel @p1 .LBB2_4-.Ltmp0, $4  }
0x2d: {  	v5 =	vand.u32 $0x7F, v6;
	v6 =	vadd.s32 v1, v7;
	v4 =	vld.idx.msk [tilespmem:v4+s2+$0x0], $0xffff  }
0x2e: {  	v5 =	vor.u32 v5, v6  }
0x2f: {  	s20 =	sadd.s32 $0x100, s20;
	s19 =	sadd.s32 $0x3F, s19;
	v5 =	vor.u32 v2, v5  }
0x30: {  	s21 =	sadd.s32 $0x20, s21;
	s24 =	sand.u32 $0x1C00, s20;
	s23 =	sadd.s32 $0xFFFFFFF0, s19  }
0x31: {  	_ = 	snop  }
0x32: {  	v6 =	vadd.s32 s23, v0  }
0x33: {  	s21 =	sand.u32 $0x60, s22;
	s29 =	sadd.s32 s24, s17;
	v7 =	vshll.u32 v6, $0x3  }
0x34: {  	s21 =	sadd.s32 s21, s29;
	v7 =	vand.u32 $0xFFFFFC00, v7  }
0x35: {  	v59 =	vand.u32 $0x7F, v6;
	[tilespmem:v3+s21+$0x0 ss:$0x1] =	vst.idx.msk $0xffff, v4;
	v60 =	vadd.s32 v1, v7  }
0x36: {  	v5 =	vld.idx.msk [tilespmem:v5+s2+$0x0], $0xffff;
	v4 =	vor.u32 v59, v60  }
0x37: {  	v4 =	vor.u32 v2, v4  }
0x38: {  	v61 =	vadd.s32 s19, v0  }
0x39: {  	v62 =	vshll.u32 v61, $0x3  }
0x3a: {  	v7 =	vand.u32 $0xFFFFFC00, v62  }
0x3b: {  	v63 =	vand.u32 $0x7F, v61;
	v1 =	vadd.s32 v1, v7;
	[tilespmem:v3+s21+$0x10 ss:$0x1] =	vst.idx.msk $0xffff, v5  }
0x3c: {  	v1 =	vor.u32 v63, v1;
	v4 =	vld.idx.msk [tilespmem:v4+s2+$0x0], $0xffff  }
0x3d: {  	s30 =	sadd.s32 $0x100, s20;
	v1 =	vor.u32 v2, v1  }
0x3e: {  	s19 =	sand.u32 $0x1C00, s30  }
0x3f: {  	s18 =	sand.u32 $0x60, s18;
	s31 =	sadd.s32 s19, s17  }
0x40: {  	s17 =	sadd.s32 s18, s31  }
0x41: {  	s16 =	sadd.s32 $0x1, s16;
	[tilespmem:v3+s17+$0x0 ss:$0x1] =	vst.idx.msk $0xffff, v4  }
0x42: {  	p1 =	sne.s32 s16, $0x10;
	v1 =	vld.idx.msk [tilespmem:v1+s2+$0x0], $0xffff  }
.Ltmp1:
0x43: {  	_ = 	snop;
	(pc) =	sbr.rel @p1 .LBB2_3-.Ltmp1, $2  }
0x44: {  	_ =	sdelay $0x2  }
0x45: {  	s15 =	sadd.s32 $0xFFFFFFFF, s15;
	[tilespmem:v3+s17+$0x10 ss:$0x1] =	vst.idx.msk $0xffff, v1  }
0x46: {  	s12 =	sshll.u32 s12, $0xC;
	s11 =	sadd.s32 $0x1, s11  }
0x47: {  	s13 =	sshll.u32 s13, $0x7;
	s12 =	sadd.s32 s12, s5;
	p1 =	sne.s32 s11, $0x10  }
.Ltmp2:
0x48: {  	s12 =	sadd.s32 s13, s12;
	(pc) =	sbr.rel @p1 .LBB2_2-.Ltmp2, $4  }
0x49: {  	[hbm4b:s12+s2] =	stream.linear.scatter [tilespmem:s8], [sflag:$0x1], $0x4000, $0x38;
	[tilespmem:$0x14000] =	vst v63  }
0x4a: {  	_ =	swait.ge [sflag:s7], $0x4000  }
0x4b: {  	[sflag:s7] =	ssyncset.done $0x0  }
0x4c: {  	p0 =	por !p0, !p0;
	s10 =	sadd.s32 $0x1, s10;
	[sflag:s7] =	ssyncadd.s32 $0xFFFFC000  }
0x4d: {  	s9 =	sadd.s32 $0x1, s9  }
0x4e: {  	p0 =	sne.s32 s9, s6  }
.Ltmp3:
0x4f: {  	_ = 	snop;
	(pc) =	sbr.rel @p0 .LBB2_1-.Ltmp3, $1  }
0x50: {  	_ =	sdelay $0x3  }
0x51: {  	_ =	sfence.sel $0x180000  }
0x52: {  	[bflag:$0x0] =	sbarrier.arrive $0xFFFF  }
0x53: {  	p0 =	sne.s32 s1, $0x0;
	_ =	strace $0x90000047  }
0x54: {  	s0 =	sadd.s32 @!p0 $0x100000, s0;
	[bflag:$0x2] =	sbarrier.arrive $0xFFFF  }
0x55: {  	[sflag:s0] =	ssyncadd.tile.s32 @!p0 $0x1;
	_ =	shalt  }
.Lfunc_end2:
_tile_overlayer_lowered:
.L_overlay_start_2:
0x56: {  	(tag) =	ssettag $0x2  }
0x57: {  	s0 =	rddreg [dreg:$0x0];
	s2 =	stileid.u32  }
0x58: {  	s1 =	rddreg [dreg:$0x1];
	p0 =	sne.s32 s2, $0x0  }
0x59: {  	s3 =	rddreg [dreg:$0x2];
	[bflag:$0x3] =	sbarrier.arrive $0xFFFF;
	s2 =	simm.s32 @!p0 $0x1C01  }
0x5a: {  	[timem:s3], [sflag:s2] =	dma.local @!p0 [hbm:s0], s1  }
0x5b: {  	s0 =	simm.s32 @!p0 $0x1  }
0x5c: {  	_ =	swait.ge @!p0 [sflag:s0], s1  }
0x5d: {  	s1 =	ssub.s32 @!p0 $0x0, s1;
	[sflag:s0] =	ssyncset.done @!p0 $0x0  }
0x5e: {  	[sflag:s0] =	ssyncadd.s32 @!p0 s1  }
0x5f: {  	[bflag:$0x3] =	sbarrier.arrive $0xFFFF  }
0x60: {  	_ =	shalt  }

</sc_bundles>
